<compile_context>
chip_gen: v7x
topology: tpu7x:2x2x1
jax: 0.10.2.dev20260603
libtpu: 0.0.44.dev20260713+nightly
codegen_flags: <defaults>
</compile_context>

<pallas_src>
import functools

import jax
import jax.numpy as jnp
from jax import lax
from jax.experimental import pallas as pl
from jax.experimental.pallas import tpu as pltpu
from jax.experimental.pallas import tpu_sc as plsc

NC = 2
NS = 16
NW = NC * NS

G = 128
B = 4096 * 200
D = 128
NBUF = 5
LOOKAHEAD = 2

CPW = 145
N_SC = NW * G * CPW
N_TC = B - N_SC

M = 1024
VPAD = 1024


def _emb_lookup_sc(table, idx2d):
    mesh = plsc.VectorSubcoreMesh(core_axis_name="c", subcore_axis_name="s")

    @functools.partial(
        pl.kernel,
        out_type=jax.ShapeDtypeStruct((B, D), jnp.float32),
        mesh=mesh,
        scratch_types=[
            pltpu.VMEM((CPW, G), jnp.int32),
            [pltpu.VMEM((G, D), jnp.float32)] * NBUF,
            [pltpu.SemaphoreType.DMA] * NBUF,
            [pltpu.SemaphoreType.DMA] * NBUF,
        ],
    )
    def k(table_hbm, idx_hbm, out_hbm, idx_v, rows, gsems, osems):
        wid = lax.axis_index("s") * NC + lax.axis_index("c")
        base = wid * CPW
        pltpu.sync_copy(idx_hbm.at[wid], idx_v)

        def gather(c, s):
            return pltpu.make_async_copy(
                table_hbm.at[idx_v.at[c]], rows[s], gsems[s])

        def outcopy(c, s):
            return pltpu.make_async_copy(
                rows[s], out_hbm.at[pl.ds((base + c) * G, G)], osems[s])

        for c0 in range(LOOKAHEAD):
            gather(c0, c0).start()

        def body(go, carry):
            for b in range(NBUF):
                c = go * NBUF + b
                gather(c, b).wait()
                outcopy(c, b).start()
                s2 = (b + LOOKAHEAD) % NBUF

                @pl.when(c >= NBUF - LOOKAHEAD)
                def _():
                    outcopy(c + LOOKAHEAD - NBUF, s2).wait()

                @pl.when(c + LOOKAHEAD < CPW)
                def _():
                    gather(c + LOOKAHEAD, s2).start()

            return carry

        lax.fori_loop(0, CPW // NBUF, body, 0)

        for c in range(CPW - (NBUF - LOOKAHEAD), CPW):
            outcopy(c, c % NBUF).wait()

    return k(table, idx2d)


def _emb_lookup_tc(table_pad, idx3d):
    def body(idx_ref, tab_ref, o_ref):
        ohT = jnp.equal(
            lax.broadcasted_iota(jnp.int32, (VPAD, M), 0),
            jnp.broadcast_to(idx_ref[0], (VPAD, M)),
        ).astype(jnp.float32)
        o_ref[...] = lax.dot_general(
            ohT, tab_ref[...], (((0,), (0,)), ((), ())),
            preferred_element_type=jnp.float32)

    return pl.pallas_call(
        body,
        grid=(N_TC // M,),
        in_specs=[
            pl.BlockSpec((1, 1, M), lambda i: (i, 0, 0)),
            pl.BlockSpec((VPAD, D), lambda i: (0, 0)),
        ],
        out_specs=pl.BlockSpec((M, D), lambda i: (i, 0)),
        out_shape=jax.ShapeDtypeStruct((N_TC, D), jnp.float32),
    )(idx3d, table_pad)


def kernel(x, table):
    flat = x.reshape(-1).astype(jnp.int32)
    idx_sc = flat[:N_SC].reshape(NW, CPW, G)
    idx_tc = flat[N_SC:].reshape(-1, 1, M)
    table_pad = jnp.zeros((VPAD, D), jnp.float32).at[: table.shape[0]].set(table)

    big = _emb_lookup_sc(table, idx_sc)
    tc = _emb_lookup_tc(table_pad, idx_tc)
    out = lax.dynamic_update_slice(big, tc, (N_SC, 0))
    return out.reshape(x.shape + (D,))

# --- scband reference (transcript-rebuilt; emitter-appended) ---
"""Pipeline reference for scband-embedding-layer-4166118277382 (READ-ONLY COPY).

The authoritative reference and input builder live on the scoring server;
editing this copy changes nothing except your own understanding.
"""

import jax, jax.numpy as jnp
import numpy as np

N_V = 1000
N_D = 128

def setup_inputs(seed: int = 0) -> dict:
    key = jax.random.key(seed)
    k1, k2 = jax.random.split(key)
    x = jax.random.randint(k1, (4096, 200), 0, N_V, dtype=jnp.int64)
    table = jax.random.normal(k2, (N_V, N_D), dtype=jnp.float32)
    return {"x": x, "table": table}

def reference(x, table):
    # EmbeddingLayer.forward: return self.embedding(x)
    return jnp.take(table, x, axis=0)

if __name__ == "__main__":
    import jax
    _d = setup_inputs()
    print(jax.jit(kernel)(*tuple(_d.values())))

</pallas_src>

<mosaic_0001>
#map = affine_map<(d0, d1) -> (0, 0)>
#map1 = affine_map<(d0, d1) -> (0, 0, 0)>
module attributes {stable_mosaic.version = 14 : i64} {
  func.func @k(%arg0: i32, %arg1: i32, %arg2: memref<1000x128xf32, #tpu.memory_space<hbm>>, %arg3: memref<32x145x128xi32, #tpu.memory_space<hbm>>, %arg4: memref<819200x128xf32, #tpu.memory_space<hbm>>, %arg5: memref<145x128xi32, #tpu.memory_space<vmem>>, %arg6: memref<128x128xf32, #tpu.memory_space<vmem>>, %arg7: memref<128x128xf32, #tpu.memory_space<vmem>>, %arg8: memref<128x128xf32, #tpu.memory_space<vmem>>, %arg9: memref<128x128xf32, #tpu.memory_space<vmem>>, %arg10: memref<128x128xf32, #tpu.memory_space<vmem>>, %arg11: memref<!tpu.dma_semaphore, #tpu.memory_space<semaphore_mem>>, %arg12: memref<!tpu.dma_semaphore, #tpu.memory_space<semaphore_mem>>, %arg13: memref<!tpu.dma_semaphore, #tpu.memory_space<semaphore_mem>>, %arg14: memref<!tpu.dma_semaphore, #tpu.memory_space<semaphore_mem>>, %arg15: memref<!tpu.dma_semaphore, #tpu.memory_space<semaphore_mem>>, %arg16: memref<!tpu.dma_semaphore, #tpu.memory_space<semaphore_mem>>, %arg17: memref<!tpu.dma_semaphore, #tpu.memory_space<semaphore_mem>>, %arg18: memref<!tpu.dma_semaphore, #tpu.memory_space<semaphore_mem>>, %arg19: memref<!tpu.dma_semaphore, #tpu.memory_space<semaphore_mem>>, %arg20: memref<!tpu.dma_semaphore, #tpu.memory_space<semaphore_mem>>) attributes {dimension_semantics = [#tpu.dimension_semantics<core_parallel>, #tpu.dimension_semantics<subcore_parallel>], iteration_bounds = array<i64: 2, 16>, scalar_prefetch = 0 : i64, scratch_operands = 16 : i64, tpu.core_type = #tpu.core_type<sc_vector_subcore>, window_params = [{transform_indices = #map}, {transform_indices = #map1}, {transform_indices = #map}]} {
    %mul3A = arith.constant 2 : i32
    %mul3A_0 = arith.muli %arg1, %mul3A : i32
    %add3A = arith.addi %mul3A_0, %arg0 : i32
    %mul3A_1 = arith.constant 145 : i32
    %mul3A_2 = arith.muli %add3A, %mul3A_1 : i32
    "tpu.region"() ({
      %run_scoped3A = tpu.sem_alloc : memref<!tpu.dma_semaphore, #tpu.memory_space<semaphore_mem>>
      %dma_start3A_44 = arith.constant 0 : i32
      %dma_start3A_45 = arith.constant 0 : i32
      %dma_start3A_46 = tpu.memref_slice %arg3[%add3A, %dma_start3A_44, %dma_start3A_45] : memref<32x145x128xi32, #tpu.memory_space<hbm>> -> memref<1x145x128xi32, #tpu.memory_space<hbm>>
      %dma_start3A_47 = tpu.memref_squeeze %dma_start3A_46 : memref<1x145x128xi32, #tpu.memory_space<hbm>> -> memref<145x128xi32, #tpu.memory_space<hbm>>
      %dma_start3A_48 = arith.constant 0 : i32
      %dma_start3A_49 = arith.constant 0 : i32
      %dma_start3A_50 = tpu.memref_slice %arg3[%add3A, %dma_start3A_48, %dma_start3A_49] : memref<32x145x128xi32, #tpu.memory_space<hbm>> -> memref<1x145x128xi32, #tpu.memory_space<hbm>>
      %dma_start3A_51 = tpu.memref_squeeze %dma_start3A_50 : memref<1x145x128xi32, #tpu.memory_space<hbm>> -> memref<145x128xi32, #tpu.memory_space<hbm>>
      tpu.enqueue_dma source(%dma_start3A_51 : memref<145x128xi32, #tpu.memory_space<hbm>>) target(%arg5 : memref<145x128xi32, #tpu.memory_space<vmem>>) target_semaphore(%run_scoped3A : memref<!tpu.dma_semaphore, #tpu.memory_space<semaphore_mem>>)
      %dma_wait3A_52 = arith.constant 0 : i32
      %dma_wait3A_53 = arith.constant 0 : i32
      %dma_wait3A_54 = tpu.memref_slice %arg3[%add3A, %dma_wait3A_52, %dma_wait3A_53] : memref<32x145x128xi32, #tpu.memory_space<hbm>> -> memref<1x145x128xi32, #tpu.memory_space<hbm>>
      %dma_wait3A_55 = tpu.memref_squeeze %dma_wait3A_54 : memref<1x145x128xi32, #tpu.memory_space<hbm>> -> memref<145x128xi32, #tpu.memory_space<hbm>>
      %dma_wait3A_56 = arith.constant 0 : i32
      %dma_wait3A_57 = arith.constant 0 : i32
      %dma_wait3A_58 = tpu.memref_slice %arg3[%add3A, %dma_wait3A_56, %dma_wait3A_57] : memref<32x145x128xi32, #tpu.memory_space<hbm>> -> memref<1x145x128xi32, #tpu.memory_space<hbm>>
      %dma_wait3A_59 = tpu.memref_squeeze %dma_wait3A_58 : memref<1x145x128xi32, #tpu.memory_space<hbm>> -> memref<145x128xi32, #tpu.memory_space<hbm>>
      tpu.wait_dma2 semaphore(%run_scoped3A : memref<!tpu.dma_semaphore, #tpu.memory_space<semaphore_mem>>) src(%dma_wait3A_59 : memref<145x128xi32, #tpu.memory_space<hbm>>) dst(%arg5 : memref<145x128xi32, #tpu.memory_space<vmem>>)
      tpu.yield
    }) : () -> ()
    %dma_start3A = arith.constant 0 : i32
    %dma_start3A_3 = arith.constant 0 : i32
    %dma_start3A_4 = tpu.memref_slice %arg5[%dma_start3A, %dma_start3A_3] : memref<145x128xi32, #tpu.memory_space<vmem>> -> memref<1x128xi32, #tpu.memory_space<vmem>>
    %dma_start3A_5 = tpu.memref_squeeze %dma_start3A_4 : memref<1x128xi32, #tpu.memory_space<vmem>> -> memref<128xi32, #tpu.memory_space<vmem>>
    %dma_start3A_6 = arith.constant 0 : i32
    %dma_start3A_7 = arith.constant 0 : i32
    %dma_start3A_8 = tpu.memref_slice %arg2[%dma_start3A_6, %dma_start3A_7] : memref<1000x128xf32, #tpu.memory_space<hbm>> -> memref<1000x128xf32, #tpu.memory_space<hbm>>
    tpu.enqueue_indirect_dma source(%dma_start3A_8 : memref<1000x128xf32, #tpu.memory_space<hbm>>) target(%arg6 : memref<128x128xf32, #tpu.memory_space<vmem>>) offsets(%dma_start3A_5 : memref<128xi32, #tpu.memory_space<vmem>>) semaphore(%arg11 : memref<!tpu.dma_semaphore, #tpu.memory_space<semaphore_mem>>)
    %dma_start3A_9 = arith.constant 1 : i32
    %dma_start3A_10 = arith.constant 0 : i32
    %dma_start3A_11 = tpu.memref_slice %arg5[%dma_start3A_9, %dma_start3A_10] : memref<145x128xi32, #tpu.memory_space<vmem>> -> memref<1x128xi32, #tpu.memory_space<vmem>>
    %dma_start3A_12 = tpu.memref_squeeze %dma_start3A_11 : memref<1x128xi32, #tpu.memory_space<vmem>> -> memref<128xi32, #tpu.memory_space<vmem>>
    %dma_start3A_13 = arith.constant 0 : i32
    %dma_start3A_14 = arith.constant 0 : i32
    %dma_start3A_15 = tpu.memref_slice %arg2[%dma_start3A_13, %dma_start3A_14] : memref<1000x128xf32, #tpu.memory_space<hbm>> -> memref<1000x128xf32, #tpu.memory_space<hbm>>
    tpu.enqueue_indirect_dma source(%dma_start3A_15 : memref<1000x128xf32, #tpu.memory_space<hbm>>) target(%arg7 : memref<128x128xf32, #tpu.memory_space<vmem>>) offsets(%dma_start3A_12 : memref<128xi32, #tpu.memory_space<vmem>>) semaphore(%arg12 : memref<!tpu.dma_semaphore, #tpu.memory_space<semaphore_mem>>)
    %scan3A = arith.constant 0 : i32
    %scan3A_16 = arith.constant 0 : i32
    %scan3A_17 = arith.constant 29 : i32
    %scan3A_18 = arith.addi %scan3A_16, %scan3A_17 : i32
    %scan3A_19 = arith.constant 1 : i32
    scf.for %scan3A_44 = %scan3A_16 to %scan3A_18 step %scan3A_19  : i32 {
      %mul3A_45 = arith.constant 5 : i32
      %mul3A_46 = arith.muli %scan3A_44, %mul3A_45 : i32
      %add3A_47 = arith.constant 0 : i32
      %add3A_48 = arith.addi %mul3A_46, %add3A_47 : i32
      %dma_wait3A_49 = arith.constant 0 : i32
      %dma_wait3A_50 = tpu.memref_slice %arg5[%add3A_48, %dma_wait3A_49] : memref<145x128xi32, #tpu.memory_space<vmem>> -> memref<1x128xi32, #tpu.memory_space<vmem>>
      %dma_wait3A_51 = tpu.memref_squeeze %dma_wait3A_50 : memref<1x128xi32, #tpu.memory_space<vmem>> -> memref<128xi32, #tpu.memory_space<vmem>>
      %dma_wait3A_52 = arith.constant 0 : i32
      %dma_wait3A_53 = arith.constant 0 : i32
      %dma_wait3A_54 = tpu.memref_slice %arg2[%dma_wait3A_52, %dma_wait3A_53] : memref<1000x128xf32, #tpu.memory_space<hbm>> -> memref<1000x128xf32, #tpu.memory_space<hbm>>
      tpu.wait_indirect_dma semaphore(%arg11 : memref<!tpu.dma_semaphore, #tpu.memory_space<semaphore_mem>>) src(%dma_wait3A_54 : memref<1000x128xf32, #tpu.memory_space<hbm>>) dst(%arg6 : memref<128x128xf32, #tpu.memory_space<vmem>>)
      %add3A_55 = arith.addi %mul3A_2, %add3A_48 : i32
      %mul3A_56 = arith.constant 128 : i32
      %mul3A_57 = arith.muli %add3A_55, %mul3A_56 : i32
      %dma_start3A_58 = arith.constant 0 : i32
      %dma_start3A_59 = tpu.memref_slice %arg4[%mul3A_57, %dma_start3A_58] : memref<819200x128xf32, #tpu.memory_space<hbm>> -> memref<128x128xf32, #tpu.memory_space<hbm>>
      %dma_start3A_60 = arith.constant 0 : i32
      %dma_start3A_61 = tpu.memref_slice %arg4[%mul3A_57, %dma_start3A_60] : memref<819200x128xf32, #tpu.memory_space<hbm>> -> memref<128x128xf32, #tpu.memory_space<hbm>>
      tpu.enqueue_dma source(%arg6 : memref<128x128xf32, #tpu.memory_space<vmem>>) target(%dma_start3A_61 : memref<128x128xf32, #tpu.memory_space<hbm>>) target_semaphore(%arg16 : memref<!tpu.dma_semaphore, #tpu.memory_space<semaphore_mem>>)
      %ge3A = arith.constant 3 : i32
      %ge3A_62 = arith.cmpi sge, %add3A_48, %ge3A : i32
      %convert_element_type3A = arith.extui %ge3A_62 : i1 to i32
      %cond3A = arith.constant 0 : i32
      %cond3A_63 = arith.cmpi ne, %convert_element_type3A, %cond3A : i32
      scf.if %cond3A_63 {
        %add3A_186 = arith.constant 2 : i32
        %add3A_187 = arith.addi %add3A_48, %add3A_186 : i32
        %sub3A = arith.constant 5 : i32
        %sub3A_188 = arith.subi %add3A_187, %sub3A : i32
        %add3A_189 = arith.addi %mul3A_2, %sub3A_188 : i32
        %mul3A_190 = arith.constant 128 : i32
        %mul3A_191 = arith.muli %add3A_189, %mul3A_190 : i32
        %dma_wait3A_192 = arith.constant 0 : i32
        %dma_wait3A_193 = tpu.memref_slice %arg4[%mul3A_191, %dma_wait3A_192] : memref<819200x128xf32, #tpu.memory_space<hbm>> -> memref<128x128xf32, #tpu.memory_space<hbm>>
        %dma_wait3A_194 = arith.constant 0 : i32
        %dma_wait3A_195 = tpu.memref_slice %arg4[%mul3A_191, %dma_wait3A_194] : memref<819200x128xf32, #tpu.memory_space<hbm>> -> memref<128x128xf32, #tpu.memory_space<hbm>>
        tpu.wait_dma2 semaphore(%arg18 : memref<!tpu.dma_semaphore, #tpu.memory_space<semaphore_mem>>) src(%arg8 : memref<128x128xf32, #tpu.memory_space<vmem>>) dst(%dma_wait3A_195 : memref<128x128xf32, #tpu.memory_space<hbm>>)
      } else {
      }
      %add3A_64 = arith.constant 2 : i32
      %add3A_65 = arith.addi %add3A_48, %add3A_64 : i32
      %lt3A = arith.constant 145 : i32
      %lt3A_66 = arith.cmpi slt, %add3A_65, %lt3A : i32
      %convert_element_type3A_67 = arith.extui %lt3A_66 : i1 to i32
      %cond3A_68 = arith.constant 0 : i32
      %cond3A_69 = arith.cmpi ne, %convert_element_type3A_67, %cond3A_68 : i32
      scf.if %cond3A_69 {
        %add3A_186 = arith.constant 2 : i32
        %add3A_187 = arith.addi %add3A_48, %add3A_186 : i32
        %dma_start3A_188 = arith.constant 0 : i32
        %dma_start3A_189 = tpu.memref_slice %arg5[%add3A_187, %dma_start3A_188] : memref<145x128xi32, #tpu.memory_space<vmem>> -> memref<1x128xi32, #tpu.memory_space<vmem>>
        %dma_start3A_190 = tpu.memref_squeeze %dma_start3A_189 : memref<1x128xi32, #tpu.memory_space<vmem>> -> memref<128xi32, #tpu.memory_space<vmem>>
        %dma_start3A_191 = arith.constant 0 : i32
        %dma_start3A_192 = arith.constant 0 : i32
        %dma_start3A_193 = tpu.memref_slice %arg2[%dma_start3A_191, %dma_start3A_192] : memref<1000x128xf32, #tpu.memory_space<hbm>> -> memref<1000x128xf32, #tpu.memory_space<hbm>>
        tpu.enqueue_indirect_dma source(%dma_start3A_193 : memref<1000x128xf32, #tpu.memory_space<hbm>>) target(%arg8 : memref<128x128xf32, #tpu.memory_space<vmem>>) offsets(%dma_start3A_190 : memref<128xi32, #tpu.memory_space<vmem>>) semaphore(%arg13 : memref<!tpu.dma_semaphore, #tpu.memory_space<semaphore_mem>>)
      } else {
      }
      %mul3A_70 = arith.constant 5 : i32
      %mul3A_71 = arith.muli %scan3A_44, %mul3A_70 : i32
      %add3A_72 = arith.constant 1 : i32
      %add3A_73 = arith.addi %mul3A_71, %add3A_72 : i32
      %dma_wait3A_74 = arith.constant 0 : i32
      %dma_wait3A_75 = tpu.memref_slice %arg5[%add3A_73, %dma_wait3A_74] : memref<145x128xi32, #tpu.memory_space<vmem>> -> memref<1x128xi32, #tpu.memory_space<vmem>>
      %dma_wait3A_76 = tpu.memref_squeeze %dma_wait3A_75 : memref<1x128xi32, #tpu.memory_space<vmem>> -> memref<128xi32, #tpu.memory_space<vmem>>
      %dma_wait3A_77 = arith.constant 0 : i32
      %dma_wait3A_78 = arith.constant 0 : i32
      %dma_wait3A_79 = tpu.memref_slice %arg2[%dma_wait3A_77, %dma_wait3A_78] : memref<1000x128xf32, #tpu.memory_space<hbm>> -> memref<1000x128xf32, #tpu.memory_space<hbm>>
      tpu.wait_indirect_dma semaphore(%arg12 : memref<!tpu.dma_semaphore, #tpu.memory_space<semaphore_mem>>) src(%dma_wait3A_79 : memref<1000x128xf32, #tpu.memory_space<hbm>>) dst(%arg7 : memref<128x128xf32, #tpu.memory_space<vmem>>)
      %add3A_80 = arith.addi %mul3A_2, %add3A_73 : i32
      %mul3A_81 = arith.constant 128 : i32
      %mul3A_82 = arith.muli %add3A_80, %mul3A_81 : i32
      %dma_start3A_83 = arith.constant 0 : i32
      %dma_start3A_84 = tpu.memref_slice %arg4[%mul3A_82, %dma_start3A_83] : memref<819200x128xf32, #tpu.memory_space<hbm>> -> memref<128x128xf32, #tpu.memory_space<hbm>>
      %dma_start3A_85 = arith.constant 0 : i32
      %dma_start3A_86 = tpu.memref_slice %arg4[%mul3A_82, %dma_start3A_85] : memref<819200x128xf32, #tpu.memory_space<hbm>> -> memref<128x128xf32, #tpu.memory_space<hbm>>
      tpu.enqueue_dma source(%arg7 : memref<128x128xf32, #tpu.memory_space<vmem>>) target(%dma_start3A_86 : memref<128x128xf32, #tpu.memory_space<hbm>>) target_semaphore(%arg17 : memref<!tpu.dma_semaphore, #tpu.memory_space<semaphore_mem>>)
      %ge3A_87 = arith.constant 3 : i32
      %ge3A_88 = arith.cmpi sge, %add3A_73, %ge3A_87 : i32
      %convert_element_type3A_89 = arith.extui %ge3A_88 : i1 to i32
      %cond3A_90 = arith.constant 0 : i32
      %cond3A_91 = arith.cmpi ne, %convert_element_type3A_89, %cond3A_90 : i32
      scf.if %cond3A_91 {
        %add3A_186 = arith.constant 2 : i32
        %add3A_187 = arith.addi %add3A_73, %add3A_186 : i32
        %sub3A = arith.constant 5 : i32
        %sub3A_188 = arith.subi %add3A_187, %sub3A : i32
        %add3A_189 = arith.addi %mul3A_2, %sub3A_188 : i32
        %mul3A_190 = arith.constant 128 : i32
        %mul3A_191 = arith.muli %add3A_189, %mul3A_190 : i32
        %dma_wait3A_192 = arith.constant 0 : i32
        %dma_wait3A_193 = tpu.memref_slice %arg4[%mul3A_191, %dma_wait3A_192] : memref<819200x128xf32, #tpu.memory_space<hbm>> -> memref<128x128xf32, #tpu.memory_space<hbm>>
        %dma_wait3A_194 = arith.constant 0 : i32
        %dma_wait3A_195 = tpu.memref_slice %arg4[%mul3A_191, %dma_wait3A_194] : memref<819200x128xf32, #tpu.memory_space<hbm>> -> memref<128x128xf32, #tpu.memory_space<hbm>>
        tpu.wait_dma2 semaphore(%arg19 : memref<!tpu.dma_semaphore, #tpu.memory_space<semaphore_mem>>) src(%arg9 : memref<128x128xf32, #tpu.memory_space<vmem>>) dst(%dma_wait3A_195 : memref<128x128xf32, #tpu.memory_space<hbm>>)
      } else {
      }
      %add3A_92 = arith.constant 2 : i32
      %add3A_93 = arith.addi %add3A_73, %add3A_92 : i32
      %lt3A_94 = arith.constant 145 : i32
      %lt3A_95 = arith.cmpi slt, %add3A_93, %lt3A_94 : i32
      %convert_element_type3A_96 = arith.extui %lt3A_95 : i1 to i32
      %cond3A_97 = arith.constant 0 : i32
      %cond3A_98 = arith.cmpi ne, %convert_element_type3A_96, %cond3A_97 : i32
      scf.if %cond3A_98 {
        %add3A_186 = arith.constant 2 : i32
        %add3A_187 = arith.addi %add3A_73, %add3A_186 : i32
        %dma_start3A_188 = arith.constant 0 : i32
        %dma_start3A_189 = tpu.memref_slice %arg5[%add3A_187, %dma_start3A_188] : memref<145x128xi32, #tpu.memory_space<vmem>> -> memref<1x128xi32, #tpu.memory_space<vmem>>
        %dma_start3A_190 = tpu.memref_squeeze %dma_start3A_189 : memref<1x128xi32, #tpu.memory_space<vmem>> -> memref<128xi32, #tpu.memory_space<vmem>>
        %dma_start3A_191 = arith.constant 0 : i32
        %dma_start3A_192 = arith.constant 0 : i32
        %dma_start3A_193 = tpu.memref_slice %arg2[%dma_start3A_191, %dma_start3A_192] : memref<1000x128xf32, #tpu.memory_space<hbm>> -> memref<1000x128xf32, #tpu.memory_space<hbm>>
        tpu.enqueue_indirect_dma source(%dma_start3A_193 : memref<1000x128xf32, #tpu.memory_space<hbm>>) target(%arg9 : memref<128x128xf32, #tpu.memory_space<vmem>>) offsets(%dma_start3A_190 : memref<128xi32, #tpu.memory_space<vmem>>) semaphore(%arg14 : memref<!tpu.dma_semaphore, #tpu.memory_space<semaphore_mem>>)
      } else {
      }
      %mul3A_99 = arith.constant 5 : i32
      %mul3A_100 = arith.muli %scan3A_44, %mul3A_99 : i32
      %add3A_101 = arith.constant 2 : i32
      %add3A_102 = arith.addi %mul3A_100, %add3A_101 : i32
      %dma_wait3A_103 = arith.constant 0 : i32
      %dma_wait3A_104 = tpu.memref_slice %arg5[%add3A_102, %dma_wait3A_103] : memref<145x128xi32, #tpu.memory_space<vmem>> -> memref<1x128xi32, #tpu.memory_space<vmem>>
      %dma_wait3A_105 = tpu.memref_squeeze %dma_wait3A_104 : memref<1x128xi32, #tpu.memory_space<vmem>> -> memref<128xi32, #tpu.memory_space<vmem>>
      %dma_wait3A_106 = arith.constant 0 : i32
      %dma_wait3A_107 = arith.constant 0 : i32
      %dma_wait3A_108 = tpu.memref_slice %arg2[%dma_wait3A_106, %dma_wait3A_107] : memref<1000x128xf32, #tpu.memory_space<hbm>> -> memref<1000x128xf32, #tpu.memory_space<hbm>>
      tpu.wait_indirect_dma semaphore(%arg13 : memref<!tpu.dma_semaphore, #tpu.memory_space<semaphore_mem>>) src(%dma_wait3A_108 : memref<1000x128xf32, #tpu.memory_space<hbm>>) dst(%arg8 : memref<128x128xf32, #tpu.memory_space<vmem>>)
      %add3A_109 = arith.addi %mul3A_2, %add3A_102 : i32
      %mul3A_110 = arith.constant 128 : i32
      %mul3A_111 = arith.muli %add3A_109, %mul3A_110 : i32
      %dma_start3A_112 = arith.constant 0 : i32
      %dma_start3A_113 = tpu.memref_slice %arg4[%mul3A_111, %dma_start3A_112] : memref<819200x128xf32, #tpu.memory_space<hbm>> -> memref<128x128xf32, #tpu.memory_space<hbm>>
      %dma_start3A_114 = arith.constant 0 : i32
      %dma_start3A_115 = tpu.memref_slice %arg4[%mul3A_111, %dma_start3A_114] : memref<819200x128xf32, #tpu.memory_space<hbm>> -> memref<128x128xf32, #tpu.memory_space<hbm>>
      tpu.enqueue_dma source(%arg8 : memref<128x128xf32, #tpu.memory_space<vmem>>) target(%dma_start3A_115 : memref<128x128xf32, #tpu.memory_space<hbm>>) target_semaphore(%arg18 : memref<!tpu.dma_semaphore, #tpu.memory_space<semaphore_mem>>)
      %ge3A_116 = arith.constant 3 : i32
      %ge3A_117 = arith.cmpi sge, %add3A_102, %ge3A_116 : i32
      %convert_element_type3A_118 = arith.extui %ge3A_117 : i1 to i32
      %cond3A_119 = arith.constant 0 : i32
      %cond3A_120 = arith.cmpi ne, %convert_element_type3A_118, %cond3A_119 : i32
      scf.if %cond3A_120 {
        %add3A_186 = arith.constant 2 : i32
        %add3A_187 = arith.addi %add3A_102, %add3A_186 : i32
        %sub3A = arith.constant 5 : i32
        %sub3A_188 = arith.subi %add3A_187, %sub3A : i32
        %add3A_189 = arith.addi %mul3A_2, %sub3A_188 : i32
        %mul3A_190 = arith.constant 128 : i32
        %mul3A_191 = arith.muli %add3A_189, %mul3A_190 : i32
        %dma_wait3A_192 = arith.constant 0 : i32
        %dma_wait3A_193 = tpu.memref_slice %arg4[%mul3A_191, %dma_wait3A_192] : memref<819200x128xf32, #tpu.memory_space<hbm>> -> memref<128x128xf32, #tpu.memory_space<hbm>>
        %dma_wait3A_194 = arith.constant 0 : i32
        %dma_wait3A_195 = tpu.memref_slice %arg4[%mul3A_191, %dma_wait3A_194] : memref<819200x128xf32, #tpu.memory_space<hbm>> -> memref<128x128xf32, #tpu.memory_space<hbm>>
        tpu.wait_dma2 semaphore(%arg20 : memref<!tpu.dma_semaphore, #tpu.memory_space<semaphore_mem>>) src(%arg10 : memref<128x128xf32, #tpu.memory_space<vmem>>) dst(%dma_wait3A_195 : memref<128x128xf32, #tpu.memory_space<hbm>>)
      } else {
      }
      %add3A_121 = arith.constant 2 : i32
      %add3A_122 = arith.addi %add3A_102, %add3A_121 : i32
      %lt3A_123 = arith.constant 145 : i32
      %lt3A_124 = arith.cmpi slt, %add3A_122, %lt3A_123 : i32
      %convert_element_type3A_125 = arith.extui %lt3A_124 : i1 to i32
      %cond3A_126 = arith.constant 0 : i32
      %cond3A_127 = arith.cmpi ne, %convert_element_type3A_125, %cond3A_126 : i32
      scf.if %cond3A_127 {
        %add3A_186 = arith.constant 2 : i32
        %add3A_187 = arith.addi %add3A_102, %add3A_186 : i32
        %dma_start3A_188 = arith.constant 0 : i32
        %dma_start3A_189 = tpu.memref_slice %arg5[%add3A_187, %dma_start3A_188] : memref<145x128xi32, #tpu.memory_space<vmem>> -> memref<1x128xi32, #tpu.memory_space<vmem>>
        %dma_start3A_190 = tpu.memref_squeeze %dma_start3A_189 : memref<1x128xi32, #tpu.memory_space<vmem>> -> memref<128xi32, #tpu.memory_space<vmem>>
        %dma_start3A_191 = arith.constant 0 : i32
        %dma_start3A_192 = arith.constant 0 : i32
        %dma_start3A_193 = tpu.memref_slice %arg2[%dma_start3A_191, %dma_start3A_192] : memref<1000x128xf32, #tpu.memory_space<hbm>> -> memref<1000x128xf32, #tpu.memory_space<hbm>>
        tpu.enqueue_indirect_dma source(%dma_start3A_193 : memref<1000x128xf32, #tpu.memory_space<hbm>>) target(%arg10 : memref<128x128xf32, #tpu.memory_space<vmem>>) offsets(%dma_start3A_190 : memref<128xi32, #tpu.memory_space<vmem>>) semaphore(%arg15 : memref<!tpu.dma_semaphore, #tpu.memory_space<semaphore_mem>>)
      } else {
      }
      %mul3A_128 = arith.constant 5 : i32
      %mul3A_129 = arith.muli %scan3A_44, %mul3A_128 : i32
      %add3A_130 = arith.constant 3 : i32
      %add3A_131 = arith.addi %mul3A_129, %add3A_130 : i32
      %dma_wait3A_132 = arith.constant 0 : i32
      %dma_wait3A_133 = tpu.memref_slice %arg5[%add3A_131, %dma_wait3A_132] : memref<145x128xi32, #tpu.memory_space<vmem>> -> memref<1x128xi32, #tpu.memory_space<vmem>>
      %dma_wait3A_134 = tpu.memref_squeeze %dma_wait3A_133 : memref<1x128xi32, #tpu.memory_space<vmem>> -> memref<128xi32, #tpu.memory_space<vmem>>
      %dma_wait3A_135 = arith.constant 0 : i32
      %dma_wait3A_136 = arith.constant 0 : i32
      %dma_wait3A_137 = tpu.memref_slice %arg2[%dma_wait3A_135, %dma_wait3A_136] : memref<1000x128xf32, #tpu.memory_space<hbm>> -> memref<1000x128xf32, #tpu.memory_space<hbm>>
      tpu.wait_indirect_dma semaphore(%arg14 : memref<!tpu.dma_semaphore, #tpu.memory_space<semaphore_mem>>) src(%dma_wait3A_137 : memref<1000x128xf32, #tpu.memory_space<hbm>>) dst(%arg9 : memref<128x128xf32, #tpu.memory_space<vmem>>)
      %add3A_138 = arith.addi %mul3A_2, %add3A_131 : i32
      %mul3A_139 = arith.constant 128 : i32
      %mul3A_140 = arith.muli %add3A_138, %mul3A_139 : i32
      %dma_start3A_141 = arith.constant 0 : i32
      %dma_start3A_142 = tpu.memref_slice %arg4[%mul3A_140, %dma_start3A_141] : memref<819200x128xf32, #tpu.memory_space<hbm>> -> memref<128x128xf32, #tpu.memory_space<hbm>>
      %dma_start3A_143 = arith.constant 0 : i32
      %dma_start3A_144 = tpu.memref_slice %arg4[%mul3A_140, %dma_start3A_143] : memref<819200x128xf32, #tpu.memory_space<hbm>> -> memref<128x128xf32, #tpu.memory_space<hbm>>
      tpu.enqueue_dma source(%arg9 : memref<128x128xf32, #tpu.memory_space<vmem>>) target(%dma_start3A_144 : memref<128x128xf32, #tpu.memory_space<hbm>>) target_semaphore(%arg19 : memref<!tpu.dma_semaphore, #tpu.memory_space<semaphore_mem>>)
      %ge3A_145 = arith.constant 3 : i32
      %ge3A_146 = arith.cmpi sge, %add3A_131, %ge3A_145 : i32
      %convert_element_type3A_147 = arith.extui %ge3A_146 : i1 to i32
      %cond3A_148 = arith.constant 0 : i32
      %cond3A_149 = arith.cmpi ne, %convert_element_type3A_147, %cond3A_148 : i32
      scf.if %cond3A_149 {
        %add3A_186 = arith.constant 2 : i32
        %add3A_187 = arith.addi %add3A_131, %add3A_186 : i32
        %sub3A = arith.constant 5 : i32
        %sub3A_188 = arith.subi %add3A_187, %sub3A : i32
        %add3A_189 = arith.addi %mul3A_2, %sub3A_188 : i32
        %mul3A_190 = arith.constant 128 : i32
        %mul3A_191 = arith.muli %add3A_189, %mul3A_190 : i32
        %dma_wait3A_192 = arith.constant 0 : i32
        %dma_wait3A_193 = tpu.memref_slice %arg4[%mul3A_191, %dma_wait3A_192] : memref<819200x128xf32, #tpu.memory_space<hbm>> -> memref<128x128xf32, #tpu.memory_space<hbm>>
        %dma_wait3A_194 = arith.constant 0 : i32
        %dma_wait3A_195 = tpu.memref_slice %arg4[%mul3A_191, %dma_wait3A_194] : memref<819200x128xf32, #tpu.memory_space<hbm>> -> memref<128x128xf32, #tpu.memory_space<hbm>>
        tpu.wait_dma2 semaphore(%arg16 : memref<!tpu.dma_semaphore, #tpu.memory_space<semaphore_mem>>) src(%arg6 : memref<128x128xf32, #tpu.memory_space<vmem>>) dst(%dma_wait3A_195 : memref<128x128xf32, #tpu.memory_space<hbm>>)
      } else {
      }
      %add3A_150 = arith.constant 2 : i32
      %add3A_151 = arith.addi %add3A_131, %add3A_150 : i32
      %lt3A_152 = arith.constant 145 : i32
      %lt3A_153 = arith.cmpi slt, %add3A_151, %lt3A_152 : i32
      %convert_element_type3A_154 = arith.extui %lt3A_153 : i1 to i32
      %cond3A_155 = arith.constant 0 : i32
      %cond3A_156 = arith.cmpi ne, %convert_element_type3A_154, %cond3A_155 : i32
      scf.if %cond3A_156 {
        %add3A_186 = arith.constant 2 : i32
        %add3A_187 = arith.addi %add3A_131, %add3A_186 : i32
        %dma_start3A_188 = arith.constant 0 : i32
        %dma_start3A_189 = tpu.memref_slice %arg5[%add3A_187, %dma_start3A_188] : memref<145x128xi32, #tpu.memory_space<vmem>> -> memref<1x128xi32, #tpu.memory_space<vmem>>
        %dma_start3A_190 = tpu.memref_squeeze %dma_start3A_189 : memref<1x128xi32, #tpu.memory_space<vmem>> -> memref<128xi32, #tpu.memory_space<vmem>>
        %dma_start3A_191 = arith.constant 0 : i32
        %dma_start3A_192 = arith.constant 0 : i32
        %dma_start3A_193 = tpu.memref_slice %arg2[%dma_start3A_191, %dma_start3A_192] : memref<1000x128xf32, #tpu.memory_space<hbm>> -> memref<1000x128xf32, #tpu.memory_space<hbm>>
        tpu.enqueue_indirect_dma source(%dma_start3A_193 : memref<1000x128xf32, #tpu.memory_space<hbm>>) target(%arg6 : memref<128x128xf32, #tpu.memory_space<vmem>>) offsets(%dma_start3A_190 : memref<128xi32, #tpu.memory_space<vmem>>) semaphore(%arg11 : memref<!tpu.dma_semaphore, #tpu.memory_space<semaphore_mem>>)
      } else {
      }
      %mul3A_157 = arith.constant 5 : i32
      %mul3A_158 = arith.muli %scan3A_44, %mul3A_157 : i32
      %add3A_159 = arith.constant 4 : i32
      %add3A_160 = arith.addi %mul3A_158, %add3A_159 : i32
      %dma_wait3A_161 = arith.constant 0 : i32
      %dma_wait3A_162 = tpu.memref_slice %arg5[%add3A_160, %dma_wait3A_161] : memref<145x128xi32, #tpu.memory_space<vmem>> -> memref<1x128xi32, #tpu.memory_space<vmem>>
      %dma_wait3A_163 = tpu.memref_squeeze %dma_wait3A_162 : memref<1x128xi32, #tpu.memory_space<vmem>> -> memref<128xi32, #tpu.memory_space<vmem>>
      %dma_wait3A_164 = arith.constant 0 : i32
      %dma_wait3A_165 = arith.constant 0 : i32
      %dma_wait3A_166 = tpu.memref_slice %arg2[%dma_wait3A_164, %dma_wait3A_165] : memref<1000x128xf32, #tpu.memory_space<hbm>> -> memref<1000x128xf32, #tpu.memory_space<hbm>>
      tpu.wait_indirect_dma semaphore(%arg15 : memref<!tpu.dma_semaphore, #tpu.memory_space<semaphore_mem>>) src(%dma_wait3A_166 : memref<1000x128xf32, #tpu.memory_space<hbm>>) dst(%arg10 : memref<128x128xf32, #tpu.memory_space<vmem>>)
      %add3A_167 = arith.addi %mul3A_2, %add3A_160 : i32
      %mul3A_168 = arith.constant 128 : i32
      %mul3A_169 = arith.muli %add3A_167, %mul3A_168 : i32
      %dma_start3A_170 = arith.constant 0 : i32
      %dma_start3A_171 = tpu.memref_slice %arg4[%mul3A_169, %dma_start3A_170] : memref<819200x128xf32, #tpu.memory_space<hbm>> -> memref<128x128xf32, #tpu.memory_space<hbm>>
      %dma_start3A_172 = arith.constant 0 : i32
      %dma_start3A_173 = tpu.memref_slice %arg4[%mul3A_169, %dma_start3A_172] : memref<819200x128xf32, #tpu.memory_space<hbm>> -> memref<128x128xf32, #tpu.memory_space<hbm>>
      tpu.enqueue_dma source(%arg10 : memref<128x128xf32, #tpu.memory_space<vmem>>) target(%dma_start3A_173 : memref<128x128xf32, #tpu.memory_space<hbm>>) target_semaphore(%arg20 : memref<!tpu.dma_semaphore, #tpu.memory_space<semaphore_mem>>)
      %ge3A_174 = arith.constant 3 : i32
      %ge3A_175 = arith.cmpi sge, %add3A_160, %ge3A_174 : i32
      %convert_element_type3A_176 = arith.extui %ge3A_175 : i1 to i32
      %cond3A_177 = arith.constant 0 : i32
      %cond3A_178 = arith.cmpi ne, %convert_element_type3A_176, %cond3A_177 : i32
      scf.if %cond3A_178 {
        %add3A_186 = arith.constant 2 : i32
        %add3A_187 = arith.addi %add3A_160, %add3A_186 : i32
        %sub3A = arith.constant 5 : i32
        %sub3A_188 = arith.subi %add3A_187, %sub3A : i32
        %add3A_189 = arith.addi %mul3A_2, %sub3A_188 : i32
        %mul3A_190 = arith.constant 128 : i32
        %mul3A_191 = arith.muli %add3A_189, %mul3A_190 : i32
        %dma_wait3A_192 = arith.constant 0 : i32
        %dma_wait3A_193 = tpu.memref_slice %arg4[%mul3A_191, %dma_wait3A_192] : memref<819200x128xf32, #tpu.memory_space<hbm>> -> memref<128x128xf32, #tpu.memory_space<hbm>>
        %dma_wait3A_194 = arith.constant 0 : i32
        %dma_wait3A_195 = tpu.memref_slice %arg4[%mul3A_191, %dma_wait3A_194] : memref<819200x128xf32, #tpu.memory_space<hbm>> -> memref<128x128xf32, #tpu.memory_space<hbm>>
        tpu.wait_dma2 semaphore(%arg17 : memref<!tpu.dma_semaphore, #tpu.memory_space<semaphore_mem>>) src(%arg7 : memref<128x128xf32, #tpu.memory_space<vmem>>) dst(%dma_wait3A_195 : memref<128x128xf32, #tpu.memory_space<hbm>>)
      } else {
      }
      %add3A_179 = arith.constant 2 : i32
      %add3A_180 = arith.addi %add3A_160, %add3A_179 : i32
      %lt3A_181 = arith.constant 145 : i32
      %lt3A_182 = arith.cmpi slt, %add3A_180, %lt3A_181 : i32
      %convert_element_type3A_183 = arith.extui %lt3A_182 : i1 to i32
      %cond3A_184 = arith.constant 0 : i32
      %cond3A_185 = arith.cmpi ne, %convert_element_type3A_183, %cond3A_184 : i32
      scf.if %cond3A_185 {
        %add3A_186 = arith.constant 2 : i32
        %add3A_187 = arith.addi %add3A_160, %add3A_186 : i32
        %dma_start3A_188 = arith.constant 0 : i32
        %dma_start3A_189 = tpu.memref_slice %arg5[%add3A_187, %dma_start3A_188] : memref<145x128xi32, #tpu.memory_space<vmem>> -> memref<1x128xi32, #tpu.memory_space<vmem>>
        %dma_start3A_190 = tpu.memref_squeeze %dma_start3A_189 : memref<1x128xi32, #tpu.memory_space<vmem>> -> memref<128xi32, #tpu.memory_space<vmem>>
        %dma_start3A_191 = arith.constant 0 : i32
        %dma_start3A_192 = arith.constant 0 : i32
        %dma_start3A_193 = tpu.memref_slice %arg2[%dma_start3A_191, %dma_start3A_192] : memref<1000x128xf32, #tpu.memory_space<hbm>> -> memref<1000x128xf32, #tpu.memory_space<hbm>>
        tpu.enqueue_indirect_dma source(%dma_start3A_193 : memref<1000x128xf32, #tpu.memory_space<hbm>>) target(%arg7 : memref<128x128xf32, #tpu.memory_space<vmem>>) offsets(%dma_start3A_190 : memref<128xi32, #tpu.memory_space<vmem>>) semaphore(%arg12 : memref<!tpu.dma_semaphore, #tpu.memory_space<semaphore_mem>>)
      } else {
      }
    }
    %scan3A_20 = arith.constant 29 : i32
    %add3A_21 = arith.constant 142 : i32
    %add3A_22 = arith.addi %mul3A_2, %add3A_21 : i32
    %mul3A_23 = arith.constant 128 : i32
    %mul3A_24 = arith.muli %add3A_22, %mul3A_23 : i32
    %dma_wait3A = arith.constant 0 : i32
    %dma_wait3A_25 = tpu.memref_slice %arg4[%mul3A_24, %dma_wait3A] : memref<819200x128xf32, #tpu.memory_space<hbm>> -> memref<128x128xf32, #tpu.memory_space<hbm>>
    %dma_wait3A_26 = arith.constant 0 : i32
    %dma_wait3A_27 = tpu.memref_slice %arg4[%mul3A_24, %dma_wait3A_26] : memref<819200x128xf32, #tpu.memory_space<hbm>> -> memref<128x128xf32, #tpu.memory_space<hbm>>
    tpu.wait_dma2 semaphore(%arg18 : memref<!tpu.dma_semaphore, #tpu.memory_space<semaphore_mem>>) src(%arg8 : memref<128x128xf32, #tpu.memory_space<vmem>>) dst(%dma_wait3A_27 : memref<128x128xf32, #tpu.memory_space<hbm>>)
    %add3A_28 = arith.constant 143 : i32
    %add3A_29 = arith.addi %mul3A_2, %add3A_28 : i32
    %mul3A_30 = arith.constant 128 : i32
    %mul3A_31 = arith.muli %add3A_29, %mul3A_30 : i32
    %dma_wait3A_32 = arith.constant 0 : i32
    %dma_wait3A_33 = tpu.memref_slice %arg4[%mul3A_31, %dma_wait3A_32] : memref<819200x128xf32, #tpu.memory_space<hbm>> -> memref<128x128xf32, #tpu.memory_space<hbm>>
    %dma_wait3A_34 = arith.constant 0 : i32
    %dma_wait3A_35 = tpu.memref_slice %arg4[%mul3A_31, %dma_wait3A_34] : memref<819200x128xf32, #tpu.memory_space<hbm>> -> memref<128x128xf32, #tpu.memory_space<hbm>>
    tpu.wait_dma2 semaphore(%arg19 : memref<!tpu.dma_semaphore, #tpu.memory_space<semaphore_mem>>) src(%arg9 : memref<128x128xf32, #tpu.memory_space<vmem>>) dst(%dma_wait3A_35 : memref<128x128xf32, #tpu.memory_space<hbm>>)
    %add3A_36 = arith.constant 144 : i32
    %add3A_37 = arith.addi %mul3A_2, %add3A_36 : i32
    %mul3A_38 = arith.constant 128 : i32
    %mul3A_39 = arith.muli %add3A_37, %mul3A_38 : i32
    %dma_wait3A_40 = arith.constant 0 : i32
    %dma_wait3A_41 = tpu.memref_slice %arg4[%mul3A_39, %dma_wait3A_40] : memref<819200x128xf32, #tpu.memory_space<hbm>> -> memref<128x128xf32, #tpu.memory_space<hbm>>
    %dma_wait3A_42 = arith.constant 0 : i32
    %dma_wait3A_43 = tpu.memref_slice %arg4[%mul3A_39, %dma_wait3A_42] : memref<819200x128xf32, #tpu.memory_space<hbm>> -> memref<128x128xf32, #tpu.memory_space<hbm>>
    tpu.wait_dma2 semaphore(%arg20 : memref<!tpu.dma_semaphore, #tpu.memory_space<semaphore_mem>>) src(%arg10 : memref<128x128xf32, #tpu.memory_space<vmem>>) dst(%dma_wait3A_43 : memref<128x128xf32, #tpu.memory_space<hbm>>)
    return
  }
}

module attributes {stable_mosaic.version = 14 : i64} {
  func.func @body(%arg0: i32, %arg1: memref<1x1x1024xi32, #tpu.memory_space<vmem>>, %arg2: memref<1024x128xf32, #tpu.memory_space<vmem>>, %arg3: memref<1024x128xf32, #tpu.memory_space<vmem>>) attributes {dimension_semantics = [#tpu.dimension_semantics<arbitrary>], iteration_bounds = array<i64: 220>, scalar_prefetch = 0 : i64, scratch_operands = 0 : i64, tpu.core_type = #tpu.core_type<tc>, window_params = [{transform_indices = @transform_0, window_bounds = array<i64: 1, 1, 1024>}, {pipeline_mode = #tpu.pipeline_mode<synchronous>, transform_indices = @transform_1, window_bounds = array<i64: 1024, 128>}, {transform_indices = @transform_2, window_bounds = array<i64: 1024, 128>}]} {
    %iota3A = tpu.iota {dimensions = array<i32: 0>} : vector<1024x1024xi32>
    %get3A = arith.constant 0 : index
    %get3A_0 = arith.constant 0 : index
    %get3A_1 = arith.constant 0 : index
    %get3A_2 = vector.load %arg1[%get3A, %get3A_0, %get3A_1] : memref<1x1x1024xi32, #tpu.memory_space<vmem>>, vector<1x1x1024xi32>
    %get3A_3 = vector.shape_cast %get3A_2 : vector<1x1x1024xi32> to vector<1x1024xi32>
    %broadcast_in_dim3A = vector.shape_cast %get3A_3 : vector<1x1024xi32> to vector<1x1024xi32>
    %broadcast_in_dim3A_4 = vector.broadcast %broadcast_in_dim3A : vector<1x1024xi32> to vector<1024x1024xi32>
    %eq3A = arith.cmpi eq, %iota3A, %broadcast_in_dim3A_4 : vector<1024x1024xi32>
    %convert_element_type3A = arith.extui %eq3A : vector<1024x1024xi1> to vector<1024x1024xi32>
    %convert_element_type3A_5 = arith.sitofp %convert_element_type3A : vector<1024x1024xi32> to vector<1024x1024xf32>
    %get3A_6 = arith.constant 0 : index
    %get3A_7 = arith.constant 0 : index
    %get3A_8 = vector.load %arg2[%get3A_6, %get3A_7] : memref<1024x128xf32, #tpu.memory_space<vmem>>, vector<1024x128xf32>
    %dot_general3A = arith.constant dense<0.000000e+00> : vector<1024x128xf32>
    %dot_general3A_9 = tpu.matmul %convert_element_type3A_5, %get3A_8, %dot_general3A {dimension_numbers = #tpu.dot_dimension_numbers<[0], [0], [1], [1], [0, 1, 1, 1], [], []>, transpose_lhs_hint = false} : vector<1024x1024xf32>, vector<1024x128xf32>, vector<1024x128xf32> -> vector<1024x128xf32>
    %swap3A = arith.constant 0 : index
    %swap3A_10 = arith.constant 0 : index
    %swap3A_11 = vector.load %arg3[%swap3A, %swap3A_10] : memref<1024x128xf32, #tpu.memory_space<vmem>>, vector<1024x128xf32>
    tpu.vector_store %arg3[%swap3A, %swap3A_10], %dot_general3A_9 {strides = array<i32>} : memref<1024x128xf32, #tpu.memory_space<vmem>>, vector<1024x128xf32>,
    return
  }
  func.func @transform_0(%arg0: i32) -> (i32, i32, i32) {
    %c0_i32 = arith.constant 0 : i32
    %c0_i32_0 = arith.constant 0 : i32
    %c0_i32_1 = arith.constant 0 : i32
    return %arg0, %c0_i32, %c0_i32_0 : i32, i32, i32
  }
  func.func @transform_1(%arg0: i32) -> (i32, i32) {
    %c0_i32 = arith.constant 0 : i32
    %c0_i32_0 = arith.constant 0 : i32
    %c0_i32_1 = arith.constant 0 : i32
    return %c0_i32, %c0_i32_0 : i32, i32
  }
  func.func @transform_2(%arg0: i32) -> (i32, i32) {
    %c0_i32 = arith.constant 0 : i32
    %c0_i32_0 = arith.constant 0 : i32
    return %arg0, %c0_i32 : i32, i32
  }
}

</mosaic_0001>

<sc_bundles>
// kernel: kernel.4.cloned.1.call-start
scs
__scs_entry_jumppad:
0x0: {  	(pc) =	sbr.rel $0x88, $3  }
0x1: {  	(tag) =	ssettag $0x0;
	lr =	simm.s32 $0x1  }
0x2: {  	[smem:$0x3F9F] =	sst lr;
	_ =	strace $0xD0000000  }
0x3: {  	_ = 	snop  }
0x4: {  	_ = 	snop  }
0x5: {  	_ = 	snop  }
0x6: {  	_ = 	snop  }
0x7: {  	_ = 	snop  }
__scs_overlays_trampoline_lowered:
0x8: {  	[smem:$0x3FAE] =	sst s0  }
0x9: {  	[smem:$0x3FAF] =	sst s1  }
0xa: {  	[smem:$0x3FB0] =	sst s2  }
0xb: {  	[smem:$0x3FB1] =	sst s3  }
0xc: {  	[smem:$0x3FB2] =	sst s4  }
0xd: {  	[smem:$0x3FB3] =	sst s5  }
0xe: {  	[smem:$0x3FB4] =	sst s6  }
0xf: {  	[smem:$0x3FB5] =	sst s7  }
0x10: {  	[smem:$0x3FB6] =	sst s8  }
0x11: {  	[smem:$0x3FB7] =	sst s9;
	s0 =	simm.s32 @!p0 $0x0  }
0x12: {  	s1 =	sld [smem:$0x3F9D];
	s0 =	simm.s32 @p0 $0x1  }
0x13: {  	[smem:$0x3FB8] =	sst s0;
	s0 =	simm.s32 @!p1 $0x0  }
0x14: {  	s2 =	sld [smem:$0x3F9C];
	s0 =	simm.s32 @p1 $0x1  }
0x15: {  	[smem:$0x3FB9] =	sst s0;
	s0 =	simm.s32 @!p2 $0x0  }
0x16: {  	s3 =	sld [smem:$0x3FDB];
	s0 =	simm.s32 @p2 $0x1  }
0x17: {  	s4 =	simm.s32 $0x1BF5;
	[smem:$0x3FBB] =	sst s0  }
0x18: {  	s0 =	sld [smem:$0x3F9E];
	_ =	swait.ge [sflag:s4], $0x0  }
0x19: {  	s7 =	sld [smem:$0x3F9F]  }
0x1a: {  	s8 =	sadd.s32 $0xFFFFE003, lr  }
0x1b: {  	s9 =	sadd.s32 $0xFFFFFEF7, lr;
	s5 =	simm.s32 $0xFFFFFFFF;
	p2 =	slt.u32 s8, $0xFFFFF086  }
0x1c: {  	p1 =	slt.u32 s9, $0xF7A;
	s5 =	simm.s32 @!p2 $0x0  }
0x1d: {  	s5 =	simm.s32 @p1 $0x1;
	p0 =	seq.s32 s7, s2  }
0x1e: {  	s7 =	smul.u32 @!p0 $0xF7A, s2;
	p2 =	seq.s32 @!p0 s5, $0x0  }
0x1f: {  	s9 =	smul.u32 $0xF7A, s1;
	s8 =	simm.s32 @!p0 $0x1BF5;
	p2 =	por !p2, p0  }
0x20: {  	[sflag:s8] =	ssyncset.s32 @!p0 $0xFFFFF086;
	s6 =	sadd.s32 @!p0 s3, s7;
	s7 =	simm.s32 @!p0 $0x108  }
0x21: {  	s3 =	sadd.s32 s3, s9;
	s6 =	sadd.s32 @!p0 $0x88, s6;
	s7 =	simm.s32 @p2 $0x1082  }
0x22: {  	[simem:s7], [sflag:s8] =	dma.local @!p0 [hbm:s6], $0xF7A  }
0x23: {  	s9 =	sor.u32 $0xD0000000, s2;
	s6 =	simm.s32 $0x108;
	_ =	swait.ge @!p0 [sflag:s8], $0x0  }
0x24: {  	s3 =	sadd.s32 $0x88, s3;
	s6 =	simm.s32 @!p1 $0x1082;
	[sflag:s4] =	ssyncset.s32 $0xFFFFF086  }
0x25: {  	[simem:s6], [sflag:s4] =	dma.local [hbm:s3], $0xF7A  }
0x26: {  	[smem:$0x3F9F] =	sst s1;
	(tag) =	ssettag s2;
	_ =	strace s9  }
0x27: {  	s1 =	sld [smem:$0x3FAF]  }
0x28: {  	s2 =	sld [smem:$0x3FB0]  }
0x29: {  	s4 =	sld [smem:$0x3FB2]  }
0x2a: {  	p0 =	seq.s32 s5, $0x0;
	s5 =	sld [smem:$0x3FB3]  }
0x2b: {  	s6 =	sld [smem:$0x3FB4]  }
0x2c: {  	s7 =	sld [smem:$0x3FB5]  }
0x2d: {  	s3 =	simm.s32 $0x108;
	s8 =	sld [smem:$0x3FB6]  }
0x2e: {  	s3 =	simm.s32 @!p0 $0x1082;
	s9 =	sld [smem:$0x3FB7]  }
0x2f: {  	lr =	sadd.s32 s0, s3;
	s0 =	sld [smem:$0x3FAE]  }
0x30: {  	s3 =	sld [smem:$0x3FB1]  }
0x31: {  	[smem:$0x3FBA] =	sst s10  }
0x32: {  	s10 =	sld [smem:$0x3FB8];
	_ =	sdelay $0x3  }
0x33: {  	p0 =	seq.s32 s10, $0x1;
	s10 =	sld [smem:$0x3FBA];
	_ =	sdelay $0x3  }
0x34: {  	[smem:$0x3FBA] =	sst s10  }
0x35: {  	s10 =	sld [smem:$0x3FB9];
	_ =	sdelay $0x3  }
0x36: {  	p1 =	seq.s32 s10, $0x1;
	s10 =	sld [smem:$0x3FBA];
	_ =	sdelay $0x3  }
0x37: {  	[smem:$0x3FBA] =	sst s10  }
0x38: {  	s10 =	sld [smem:$0x3FBB]  }
0x39: {  	_ = 	snop;
	(pc) =	sbr.ind lr, $3  }
0x3a: {  	_ = 	snop  }
0x3b: {  	_ = 	snop  }
0x3c: {  	p2 =	seq.s32 s10, $0x1;
	s10 =	sld [smem:$0x3FBA]  }
0x3d: {  	_ =	shalt  }
0x3e: {  	_ =	shalt  }
0x3f: {  	_ =	shalt  }
0x40: {  	_ =	shalt  }
0x41: {  	_ =	shalt  }
0x42: {  	_ =	shalt  }
0x43: {  	_ =	shalt  }
0x44: {  	_ =	shalt  }
0x45: {  	_ =	shalt  }
0x46: {  	_ =	shalt  }
0x47: {  	_ =	shalt  }
0x48: {  	_ =	shalt  }
0x49: {  	_ =	shalt  }
0x4a: {  	_ =	shalt  }
0x4b: {  	_ =	shalt  }
0x4c: {  	_ =	shalt  }
0x4d: {  	_ =	shalt  }
0x4e: {  	_ =	shalt  }
0x4f: {  	_ =	shalt  }
0x50: {  	_ =	shalt  }
0x51: {  	_ =	shalt  }
0x52: {  	_ =	shalt  }
0x53: {  	_ =	shalt  }
0x54: {  	_ =	shalt  }
0x55: {  	_ =	shalt  }
0x56: {  	_ =	shalt  }
0x57: {  	_ =	shalt  }
0x58: {  	_ =	shalt  }
0x59: {  	_ =	shalt  }
0x5a: {  	_ =	shalt  }
0x5b: {  	_ =	shalt  }
0x5c: {  	_ =	shalt  }
0x5d: {  	_ =	shalt  }
0x5e: {  	_ =	shalt  }
0x5f: {  	_ =	shalt  }
0x60: {  	_ =	shalt  }
0x61: {  	_ =	shalt  }
0x62: {  	_ =	shalt  }
0x63: {  	_ =	shalt  }
0x64: {  	_ =	shalt  }
0x65: {  	_ =	shalt  }
0x66: {  	_ =	shalt  }
0x67: {  	_ =	shalt  }
0x68: {  	_ =	shalt  }
0x69: {  	_ =	shalt  }
0x6a: {  	_ =	shalt  }
0x6b: {  	_ =	shalt  }
0x6c: {  	_ =	shalt  }
0x6d: {  	_ =	shalt  }
0x6e: {  	_ =	shalt  }
0x6f: {  	_ =	shalt  }
0x70: {  	_ =	shalt  }
0x71: {  	_ =	shalt  }
0x72: {  	_ =	shalt  }
0x73: {  	_ =	shalt  }
0x74: {  	_ =	shalt  }
0x75: {  	_ =	shalt  }
0x76: {  	_ =	shalt  }
0x77: {  	_ =	shalt  }
0x78: {  	_ =	shalt  }
0x79: {  	_ =	shalt  }
0x7a: {  	_ =	shalt  }
0x7b: {  	_ =	shalt  }
0x7c: {  	_ =	shalt  }
0x7d: {  	_ =	shalt  }
0x7e: {  	_ =	shalt  }
0x7f: {  	_ =	shalt  }
0x80: {  	_ =	shalt  }
0x81: {  	_ =	shalt  }
0x82: {  	_ =	shalt  }
0x83: {  	_ =	shalt  }
0x84: {  	_ =	shalt  }
0x85: {  	_ =	shalt  }
0x86: {  	_ =	shalt  }
0x87: {  	_ =	shalt  }
.Lfunc_end0:
.L_simem_size_0:
called_computation_lowered:
.L_overlay_start_0:
0x88: {  	s2 =	sld [smem:$0x3FD9]  }
0x89: {  	s3 =	sld [smem:$0x3FFE];
	_ =	sdelay $0x1  }
0x8a: {  	s1 =	srdreg.scid  }
0x8b: {  	s0 =	sand.u32 $0x1, s1  }
0x8c: {  	s17 =	sshll.u32 s0, $0xA;
	s2 =	sadd.s32 s3, s2  }
0x8d: {  	s2 =	sadd.s32 s2, s17  }
0x8e: {  	[smem:$0x3FC6] =	sst s2  }
0x8f: {  	_ = 	snop  }
0x90: {  	s2 =	sld [smem:$0x3FC8]  }
0x91: {  	s18 =	sld [smem:$0x3FD0];
	(tm) =	ssettm $0x1  }
0x92: {  	s4 =	sld [smem:$0x3FFB];
	_ =	sdelay $0x3  }
0x93: {  	_ =	strace s4  }
0x94: {  	s4 =	sld [smem:$0x3FFC];
	_ =	sdelay $0x3  }
0x95: {  	_ =	strace s4  }
0x96: {  	s4 =	sld [smem:$0x3FFD];
	_ =	sdelay $0x3  }
0x97: {  	_ =	strace s4  }
0x98: {  	_ =	strace $0x8FFFFFFF  }
0x99: {  	s19 =	sld [smem:$0x3FDB];
	_ =	sdelay $0x1  }
0x9a: {  	s5 =	simm.s32 $_scs_section_size  }
0x9b: {  	s6 =	simm.s32 $_size__tile_overlayer_lowered;
	s7 =	simm.s32 $_tile_overlayer_lowered  }
0x9c: {  	s22 =	simm.s32 $0x1BFF;
	s21 =	sshll.u32 s7, $0x1;
	s4 =	sadd.s32 s5, s19  }
0x9d: {  	s8 =	simm.s32 $0x0;
	s20 =	sshll.u32 s6, $0x1;
	s6 =	sadd.s32 s21, s4  }
0x9e: {  	[timem:s8], [sflag:s22] =	dma.local [hbm:s6], s20  }
0x9f: {  	_ =	swait.ge [sflag:s22], s20  }
0xa0: {  	s5 =	ssub.s32 $0x0, s20;
	[sflag:s22] =	ssyncset.done $0x0  }
0xa1: {  	[sflag:s22] =	ssyncadd.s32 s5;
	_ =	sdelay $0x1  }
0xa2: {  	s23 =	simm.s32 $0x1B8B  }
0xa3: {  	_ =	swait.ge [sflag:s23], $0x1  }
0xa4: {  	[sflag:s23] =	ssyncset.done $0x0  }
0xa5: {  	s25 =	simm.s32 $0x1B8E;
	s24 =	sld [smem:$0x3FFE];
	[sflag:s23] =	ssyncadd.s32 $0xFFFFFFFF  }
0xa6: {  	s26 =	simm.s32 $execute0_lowered;
	[smem:$0x3FD2] =	sst s25  }
0xa7: {  	s6 =	sshll.u32 s26, $0x1;
	_ =	strace $0x80000046;
	[dreg:$0x1] =	wrdreg $0xFFFFFFFF  }
0xa8: {  	s28 =	simm.s32 $_size_execute0_lowered;
	s4 =	sadd.s32 s4, s6;
	[dreg:$0x0] =	wrdreg $0x0  }
0xa9: {  	s6 =	sshll.u32 s28, $0x1;
	[dreg:$0x2] =	wrdreg s4  }
0xaa: {  	[dreg:$0x3] =	wrdreg s6  }
0xab: {  	[dreg:$0x4] =	wrdreg $0xC0  }
0xac: {  	_ =	task [dreg:s8], $0x5FFFF  }
0xad: {  	[dreg:$0x1] =	wrdreg $0xFFFFFFFF  }
0xae: {  	[dreg:$0x0] =	wrdreg $0x60  }
0xaf: {  	[dreg:$0x2] =	wrdreg s2  }
0xb0: {  	[dreg:$0x3] =	wrdreg s24  }
0xb1: {  	[dreg:$0x4] =	wrdreg s18  }
0xb2: {  	[dreg:$0x5] =	wrdreg $0x9  }
0xb3: {  	_ =	task.clear_ibuf [dreg:s8], $0x6FFFF;
	_ =	strace $0x90000046  }
0xb4: {  	s29 =	simm.s32 $0x9;
	_ =	strace $0x80000048  }
0xb5: {  	_ =	swait.ge [sflag:s29], $0x1  }
0xb6: {  	[sflag:s29] =	ssyncadd.s32 $0xFFFFFFFF  }
0xb7: {  	_ =	strace $0x90000048  }
0xb8: {  	_ =	sfence  }
0xb9: {  	s30 =	sld [smem:$0x0];
	_ =	sdelay $0x2  }
0xba: {  	s31 =	sshll.u32 s1, $0xD;
	s1 =	sshrl.u32 s1, $0x2  }
0xbb: {  	s3 =	sand.u32 $0x4000, s31;
	s1 =	sadd.s32 s1, s30  }
0xbc: {  	s0 =	sor.u32 s3, s0;
	s1 =	sshll.u32 s1, $0x11  }
0xbd: {  	s0 =	sor.u32 s1, s0  }
0xbe: {  	s0 =	sadd.s32 $0x8F2B, s0  }
0xbf: {  	[sflag:s0] =	ssyncadd.remote.s32 $0x1  }
0xc0: {  	_ =	sfence.sel $0xFFFF  }
0xc1: {  	[dreg:$0x0] =	wrdreg $0xFFFFFFFF;
	(pc) =	sbr.abs _section_cstart, $3  }
0xc2: {  	[dreg:$0x1] =	wrdreg $0xFFFFFFFF  }
0xc3: {  	_ =	task.clear_ibuf [dreg:s8], $0x2FFFF;
	_ =	strace $0x9FFFFFFF  }
0xc4: {  	(tm) =	ssettm $0x7FFFFFFF  }
0xc5: {  	_ =	shalt  }
tec
execute0_lowered:
.L_overlay_start_1:
0x0: {  	(tag) =	ssettag $0x1  }
0x1: {  	s1 =	rddreg [dreg:$0x0]  }
0x2: {  	s0 =	srdreg.scid;
	s4 =	rddreg [dreg:$0x1]  }
0x3: {  	s10 =	stileid.u32;
	s5 =	rddreg [dreg:$0x2]  }
0x4: {  	s3 =	simm.s32 $0x0;
	s11 =	simm.s32 $0xB;
	s12 =	simm.s32 $0x80  }
0x5: {  	s13 =	simm.s32 $0x4C00;
	s14 =	simm.s32 $0x8C00;
	s15 =	simm.s32 $0x1  }
0x6: {  	s16 =	simm.s32 $0xCC00;
	s17 =	simm.s32 $0x2;
	s18 =	simm.s32 $0x10C00  }
0x7: {  	s19 =	simm.s32 $0x3;
	s28 =	simm.s32 $0xA;
	s6 =	smul.u32 $0x122, s10  }
0x8: {  	s0 =	sand.u32 $0x1, s0;
	s2 =	sshll.u32 s10, $0x1;
	s22 =	smul.u32 $0x91000, s10  }
0x9: {  	s29 =	simm.s32 $0x0;
	s2 =	sor.u32 s0, s2;
	s8 =	smul.u32 $0x91, s0  }
0xa: {  	[smem:$0x7FF] =	sst s3;
	s7 =	ssub.s32 $0x2, s0;
	s2 =	smul.u32 $0x980, s2  }
0xb: {  	_ =	strace $0x80000047;
	s24 =	smul.u32 $0x48800, s0;
	s9 =	sshrl.u32 s7, $0x1  }
0xc: {  	s20 =	ssub.s32 s7, s9;
	s6 =	sadd.s32 s8, s6;
	s2 =	sadd.s32 s2, s4  }
0xd: {  	s21 =	sshll.u32 s6, $0xB;
	s4 =	smax.u32 s20, $0x1;
	s20 =	simm.s32 $0x14C00  }
0xe: {  	s2 =	sadd.s32 $0x20800, s2;
	[dreg:$0x5] =	wrdreg s4;
	s23 =	sadd.s32 s5, s21  }
0xf: {  	s5 =	sadd.s32 s22, s5;
	s21 =	simm.s32 $0x4;
	s22 =	simm.s32 $0x6  }
.Ltmp0:
0x10: {  	[dreg:$0x4] =	wrdreg s2;
	s25 =	sadd.s32 $0x800, s23;
	(pc) =	sbr.rel .LBB2_1-.Ltmp0, $4  }
0x11: {  	s26 =	sadd.s32 $0x2000, s23;
	s30 =	sadd.s32 $0x1800, s23;
	[dreg:$0x6] =	wrdreg s25  }
0x12: {  	s31 =	sadd.s32 $0x1000, s23;
	s10 =	sadd.s32 s24, s5;
	[dreg:$0x7] =	wrdreg s26  }
0x13: {  	s23 =	simm.s32 $0x5;
	s24 =	simm.s32 $0x7;
	[dreg:$0x8] =	wrdreg s30  }
0x14: {  	[dreg:$0x9] =	wrdreg s31;
	s25 =	simm.s32 $0x8;
	s26 =	simm.s32 $0x9  }
.LBB2_4:
0x15: {  	_ =	swait.ge [sflag:s25], $0x4000  }
0x16: {  	[sflag:s25] =	ssyncset.done $0x0  }
0x17: {  	[sflag:s25] =	ssyncadd.s32 $0xFFFFC000  }
0x18: {  	_ =	swait.ge [sflag:s26], $0x4000  }
0x19: {  	[sflag:s26] =	ssyncset.done $0x0  }
0x1a: {  	[sflag:s26] =	ssyncadd.s32 $0xFFFFC000  }
0x1b: {  	_ =	swait.ge [sflag:s28], $0x4000  }
0x1c: {  	s29 =	sadd.s32 $0x1, s29;
	s0 =	rddreg [dreg:$0x5]  }
0x1d: {  	p0 =	sne.s32 s29, s0  }
.Ltmp1:
0x1e: {  	_ = 	snop;
	(pc) =	sbr.rel @!p0 .LBB2_5-.Ltmp1, $3  }
0x1f: {  	_ =	sdelay $0x1  }
0x20: {  	[sflag:s28] =	ssyncset.done $0x0  }
0x21: {  	[sflag:s28] =	ssyncadd.s32 $0xFFFFC000  }
.LBB2_1:
0x22: {  	s0 =	rddreg [dreg:$0x4]  }
0x23: {  	[tilespmem:s3], [sflag:$0xB] =	stream.linear.gather [hbm4b:s0+s3], $0x4880, $0x38;
	[tilespmem:$0x18C00] =	vst v63  }
0x24: {  	_ =	swait.ge [sflag:s11], $0x4880  }
0x25: {  	s31 =	rddreg [dreg:$0x9]  }
0x26: {  	[sflag:s11] =	ssyncset.done $0x0;
	s8 =	rddreg [dreg:$0x8]  }
0x27: {  	s7 =	rddreg [dreg:$0x7];
	[sflag:s11] =	ssyncadd.s32 $0xFFFFB780  }
0x28: {  	[tilespmem:s13], [sflag:$0x1] =	stream.indirect.gather [hbm4b:s1+s12], $0x80, s3, s12, $0xb8;
	[tilespmem:$0x18C00] =	vst v63  }
0x29: {  	s30 =	smov.u32 s10;
	s5 =	simm.s32 $0x0;
	s6 =	rddreg [dreg:$0x6]  }
0x2a: {  	[tilespmem:s14], [sflag:$0x2] =	stream.indirect.gather [hbm4b:s1+s12], $0x80, s12, s12, $0xb8;
	[tilespmem:$0x18C00] =	vst v63  }
.LBB2_2:
0x2b: {  	_ =	swait.ge [sflag:s15], $0x4000  }
0x2c: {  	p0 =	seq.s32 s5, $0x0;
	[sflag:s15] =	ssyncset.done $0x0  }
0x2d: {  	s0 =	simm.s32 @!p0 $0x8;
	[sflag:s15] =	ssyncadd.s32 $0xFFFFC000  }
0x2e: {  	[hbm4b:s30+s3] =	stream.linear.scatter [tilespmem:s13], [sflag:$0x6], $0x4000, $0x38;
	[tilespmem:$0x18C00] =	vst v63  }
0x2f: {  	_ =	swait.ge @!p0 [sflag:s0], $0x4000  }
0x30: {  	s4 =	sshra.s32 s5, $0x2;
	[sflag:s0] =	ssyncset.done @!p0 $0x0  }
0x31: {  	s9 =	sadd.s32 $0x100, s4;
	[sflag:s0] =	ssyncadd.s32 @!p0 $0xFFFFC000  }
0x32: {  	[tilespmem:s16], [sflag:$0x3] =	stream.indirect.gather [hbm4b:s1+s12], $0x80, s9, s12, $0xb8;
	[tilespmem:$0x18C00] =	vst v63  }
0x33: {  	_ =	swait.ge [sflag:s17], $0x4000  }
0x34: {  	[sflag:s17] =	ssyncset.done $0x0  }
0x35: {  	s0 =	simm.s32 @!p0 $0x9;
	[sflag:s17] =	ssyncadd.s32 $0xFFFFC000  }
0x36: {  	[hbm4b:s6+s3] =	stream.linear.scatter [tilespmem:s14], [sflag:$0x7], $0x4000, $0x38;
	[tilespmem:$0x18C00] =	vst v63  }
0x37: {  	_ =	swait.ge @!p0 [sflag:s0], $0x4000  }
0x38: {  	[sflag:s0] =	ssyncset.done @!p0 $0x0  }
0x39: {  	s2 =	sadd.s32 $0x180, s4;
	[sflag:s0] =	ssyncadd.s32 @!p0 $0xFFFFC000  }
0x3a: {  	[tilespmem:s18], [sflag:$0x4] =	stream.indirect.gather [hbm4b:s1+s12], $0x80, s2, s12, $0xb8;
	[tilespmem:$0x18C00] =	vst v63  }
0x3b: {  	_ =	swait.ge [sflag:s19], $0x4000  }
0x3c: {  	[sflag:s19] =	ssyncset.done $0x0  }
0x3d: {  	s0 =	simm.s32 @!p0 $0xA;
	[sflag:s19] =	ssyncadd.s32 $0xFFFFC000  }
0x3e: {  	[hbm4b:s31+s3] =	stream.linear.scatter [tilespmem:s16], [sflag:$0x8], $0x4000, $0x38;
	[tilespmem:$0x18C00] =	vst v63  }
0x3f: {  	_ =	swait.ge @!p0 [sflag:s0], $0x4000  }
0x40: {  	[sflag:s0] =	ssyncset.done @!p0 $0x0  }
0x41: {  	s9 =	sadd.s32 $0x200, s4;
	[sflag:s0] =	ssyncadd.s32 @!p0 $0xFFFFC000  }
0x42: {  	[tilespmem:s20], [sflag:$0x5] =	stream.indirect.gather [hbm4b:s1+s12], $0x80, s9, s12, $0xb8;
	[tilespmem:$0x18C00] =	vst v63  }
0x43: {  	_ =	swait.ge [sflag:s21], $0x4000  }
0x44: {  	[sflag:s21] =	ssyncset.done $0x0  }
0x45: {  	[sflag:s21] =	ssyncadd.s32 $0xFFFFC000  }
0x46: {  	[hbm4b:s8+s3] =	stream.linear.scatter [tilespmem:s18], [sflag:$0x9], $0x4000, $0x38;
	[tilespmem:$0x18C00] =	vst v63  }
0x47: {  	p0 =	seq.s32 s5, $0x11800;
	_ =	swait.ge [sflag:s22], $0x4000  }
0x48: {  	s0 =	sshra.s32 @!p0 s5, $0x2;
	s2 =	simm.s32 @!p0 $0x80;
	[sflag:s22] =	ssyncset.done $0x0  }
0x49: {  	s9 =	simm.s32 @!p0 $0x4C00;
	s0 =	sadd.s32 @!p0 $0x280, s0;
	[sflag:s22] =	ssyncadd.s32 $0xFFFFC000  }
0x4a: {  	[tilespmem:s9], [sflag:$0x1] =	stream.indirect.gather @!p0 [hbm4b:s1+s2], $0x80, s0, s2, $0xb8;
	[tilespmem:$0x18C00] =	vst v63  }
0x4b: {  	_ =	swait.ge [sflag:s23], $0x4000  }
0x4c: {  	[sflag:s23] =	ssyncset.done $0x0  }
.Ltmp2:
0x4d: {  	[sflag:s23] =	ssyncadd.s32 $0xFFFFC000;
	(pc) =	sbr.rel @p0 .LBB2_4-.Ltmp2, $4  }
0x4e: {  	[hbm4b:s7+s3] =	stream.linear.scatter [tilespmem:s20], [sflag:$0xA], $0x4000, $0x38;
	[tilespmem:$0x18C00] =	vst v63  }
0x4f: {  	_ =	swait.ge [sflag:s24], $0x4000  }
0x50: {  	[sflag:s24] =	ssyncset.done $0x0  }
0x51: {  	[sflag:s24] =	ssyncadd.s32 $0xFFFFC000  }
.Ltmp3:
0x52: {  	(pc) =	sbr.rel .LBB2_2-.Ltmp3, $4  }
0x53: {  	s0 =	sadd.s32 $0x300, s4  }
0x54: {  	s5 =	sadd.s32 $0xA00, s5;
	s6 =	sadd.s32 $0x2800, s6;
	s7 =	sadd.s32 $0x2800, s7  }
0x55: {  	s8 =	sadd.s32 $0x2800, s8;
	s31 =	sadd.s32 $0x2800, s31;
	s30 =	sadd.s32 $0x2800, s30  }
0x56: {  	[tilespmem:s14], [sflag:$0x2] =	stream.indirect.gather [hbm4b:s1+s12], $0x80, s0, s12, $0xb8;
	[tilespmem:$0x18C00] =	vst v63  }
.LBB2_5:
0x57: {  	_ =	sfence.sel $0x180000  }
0x58: {  	[bflag:$0x0] =	sbarrier.arrive $0xFFFF  }
0x59: {  	_ =	strace $0x90000047  }
0x5a: {  	s0 =	stileid.u32;
	[bflag:$0x2] =	sbarrier.arrive $0xFFFF  }
0x5b: {  	p0 =	sne.s32 s0, $0x0;
	s0 =	rddreg [dreg:$0x3]  }
0x5c: {  	s0 =	sadd.s32 @!p0 $0x100000, s0  }
0x5d: {  	[sflag:s0] =	ssyncadd.tile.s32 @!p0 $0x1;
	_ =	shalt  }
.Lfunc_end2:
_tile_overlayer_lowered:
.L_overlay_start_2:
0x5e: {  	(tag) =	ssettag $0x2  }
0x5f: {  	s0 =	rddreg [dreg:$0x0];
	s2 =	stileid.u32  }
0x60: {  	s1 =	rddreg [dreg:$0x1];
	p0 =	sne.s32 s2, $0x0  }
0x61: {  	s3 =	rddreg [dreg:$0x2];
	[bflag:$0x3] =	sbarrier.arrive $0xFFFF;
	s2 =	simm.s32 @!p0 $0x1C0B  }
0x62: {  	[timem:s3], [sflag:s2] =	dma.local @!p0 [hbm:s0], s1  }
0x63: {  	s0 =	simm.s32 @!p0 $0xB  }
0x64: {  	_ =	swait.ge @!p0 [sflag:s0], s1  }
0x65: {  	s1 =	ssub.s32 @!p0 $0x0, s1;
	[sflag:s0] =	ssyncset.done @!p0 $0x0  }
0x66: {  	[sflag:s0] =	ssyncadd.s32 @!p0 s1  }
0x67: {  	[bflag:$0x3] =	sbarrier.arrive $0xFFFF  }
0x68: {  	_ =	shalt  }

</sc_bundles>
